<compile_context>
chip_gen: v7x
topology: tpu7x:2x2x1
jax: 0.10.2.dev20260603
libtpu: 0.0.44.dev20260713+nightly
codegen_flags: <defaults>
</compile_context>

<pallas_src>
import functools

import numpy as np

import jax
import jax.numpy as jnp
from jax import lax
from jax.experimental import pallas as pl
from jax.experimental.pallas import tpu as pltpu
from jax.experimental.pallas import tpu_sc as plsc

_LANES = 16


def _argmax_body(x_ref, i_ref, o_ref):
    x = x_ref[...]
    m = jnp.max(x, axis=2, keepdims=True)
    ii = i_ref[...]
    cand = jnp.where(x == m, ii, jnp.float32(x_ref.shape[2]))
    o_ref[...] = jnp.min(cand, axis=2)


def _finish_body(t_ref, o_ref, inv_n):
    t = jnp.sum(t_ref[...], axis=0)
    m = jnp.max(t, axis=1, keepdims=True)
    o_ref[...] = jnp.sum(m, axis=0, keepdims=True) * inv_n


def _make_hist(n, n_clus, n_clas):
    info = plsc.get_sparse_core_info()
    nc, ns = 1, info.num_subcores
    nw = nc * ns
    chunk = n // nw
    unroll = 4
    assert chunk % (_LANES * unroll) == 0 and chunk % 8 == 0
    mesh = plsc.VectorSubcoreMesh(
        core_axis_name="c", subcore_axis_name="s", num_cores=nc)

    @functools.partial(
        pl.kernel,
        out_type=jax.ShapeDtypeStruct((nw, n_clus, n_clas), jnp.float32),
        mesh=mesh,
        scratch_types=[
            pltpu.VMEM((chunk,), jnp.float32),
            pltpu.VMEM((chunk,), jnp.int32),
            pltpu.VMEM((n_clus, n_clas), jnp.float32),
        ],
        compiler_params=pltpu.CompilerParams(needs_layout_passes=False),
    )
    def hist(clus_hbm, tgt_hbm, out_hbm, clus_v, tgt_v, tab):
        wid = lax.axis_index("s") * nc + lax.axis_index("c")
        base = wid * chunk
        pltpu.sync_copy(clus_hbm.at[pl.ds(base, chunk)], clus_v)
        pltpu.sync_copy(tgt_hbm.at[pl.ds(base, chunk)], tgt_v)

        zeros = jnp.zeros((_LANES,), jnp.float32)

        def zero_step(i, carry):
            for j in range(n_clas // _LANES):
                tab[i, pl.ds(j * _LANES, _LANES)] = zeros
            return carry

        lax.fori_loop(0, n_clus, zero_step, 0)

        ones = jnp.ones((_LANES,), jnp.float32)

        def step(i, carry):
            for j in range(unroll):
                off = (i * unroll + j) * _LANES
                cv = clus_v[pl.ds(off, _LANES)].astype(jnp.int32)
                tv = tgt_v[pl.ds(off, _LANES)]
                plsc.addupdate_scatter(tab, [cv, tv], ones)
            return carry

        lax.fori_loop(0, chunk // (_LANES * unroll), step, 0)
        pltpu.sync_copy(tab, out_hbm.at[wid])

    return hist, nw


def kernel(inputs, targets):
    n, n_clus = inputs.shape
    n_clas = 128
    row_blk = 64

    x3 = inputs.reshape(n // n_clus, n_clus, n_clus)
    lane_idx = jnp.asarray(
        np.arange(n_clus, dtype=np.float32).reshape(1, 1, n_clus))
    clus = pl.pallas_call(
        _argmax_body,
        grid=(x3.shape[0] // row_blk,),
        in_specs=[
            pl.BlockSpec((row_blk, n_clus, n_clus), lambda i: (i, 0, 0)),
            pl.BlockSpec((1, 1, n_clus), lambda i: (0, 0, 0)),
        ],
        out_specs=pl.BlockSpec((row_blk, n_clus), lambda i: (i, 0)),
        out_shape=jax.ShapeDtypeStruct((n // n_clus, n_clus), jnp.float32),
    )(x3, lane_idx)

    hist, nw = _make_hist(n, n_clus, n_clas)
    tables = hist(clus.reshape(n), targets)

    out = pl.pallas_call(
        functools.partial(_finish_body, inv_n=1.0 / n),
        out_shape=jax.ShapeDtypeStruct((1, 1), jnp.float32),
    )(tables)
    return out.reshape(1)

# --- scband reference (transcript-rebuilt; emitter-appended) ---
"""Pipeline reference for scband-purity-loss-54674933678918 (READ-ONLY COPY).

The authoritative reference and input builder live on the scoring server;
editing this copy changes nothing except your own understanding.
"""

import jax, jax.numpy as jnp
import numpy as np


def setup_inputs(seed: int = 0) -> dict:
    key = jax.random.key(seed)
    k1, k2 = jax.random.split(key)
    inputs = jax.random.normal(k1, (65536, 128), dtype=jnp.float32)
    targets = jax.random.randint(k2, (65536,), 0, 128, dtype=jnp.int32)
    return {"inputs": inputs, "targets": targets}


def reference(inputs, targets):
    # purity loss: argmax cluster assignment -> contingency table (2D histogram)
    # -> sum of per-cluster max counts / N
    size = targets.shape[0]
    clus_idx = jnp.argmax(inputs, axis=1)          # cluster assignment per sample
    # clus_size in the original is max(clus_idx)+1 <= n_cluster_logits; using the
    # static upper bound inputs.shape[1] is equivalent (empty rows contribute 0).
    clus_size = inputs.shape[1]
    # class labels are bounded above by the static randint range [0, 128);
    # extra all-zero columns contribute 0 to each per-cluster max.
    clas_size = 128
    table = jnp.zeros((clus_size, clas_size), dtype=jnp.float32)
    table = table.at[clus_idx, targets].add(1.0)   # scatter-add histogram
    s = jnp.sum(jnp.max(table, axis=1))            # sum of per-cluster max counts
    return (s / size).reshape(1)

if __name__ == "__main__":
    import jax
    _d = setup_inputs()
    print(jax.jit(kernel)(*tuple(_d.values())))

</pallas_src>

<mosaic_0001>
#map = affine_map<(d0, d1) -> (0)>
#map1 = affine_map<(d0, d1) -> (0, 0, 0)>
module attributes {stable_mosaic.version = 14 : i64} {
  func.func @hist(%arg0: i32, %arg1: i32, %arg2: memref<65536xf32, #tpu.memory_space<hbm>>, %arg3: memref<65536xi32, #tpu.memory_space<hbm>>, %arg4: memref<16x128x128xf32, #tpu.memory_space<hbm>>, %arg5: memref<4096xf32, #tpu.memory_space<vmem>>, %arg6: memref<4096xi32, #tpu.memory_space<vmem>>, %arg7: memref<128x128xf32, #tpu.memory_space<vmem>>) attributes {dimension_semantics = [#tpu.dimension_semantics<core_parallel>, #tpu.dimension_semantics<subcore_parallel>], iteration_bounds = array<i64: 1, 16>, scalar_prefetch = 0 : i64, scratch_operands = 3 : i64, tpu.core_type = #tpu.core_type<sc_vector_subcore>, window_params = [{transform_indices = #map}, {transform_indices = #map}, {transform_indices = #map1}]} {
    %mul3A = arith.constant 1 : i32
    %mul3A_0 = arith.muli %arg1, %mul3A : i32
    %add3A = arith.addi %mul3A_0, %arg0 : i32
    %mul3A_1 = arith.constant 4096 : i32
    %mul3A_2 = arith.muli %add3A, %mul3A_1 : i32
    "tpu.region"() ({
      %run_scoped3A = tpu.sem_alloc : memref<!tpu.dma_semaphore, #tpu.memory_space<semaphore_mem>>
      %dma_start3A = tpu.memref_slice %arg2[%mul3A_2] : memref<65536xf32, #tpu.memory_space<hbm>> -> memref<4096xf32, #tpu.memory_space<hbm>>
      %dma_start3A_17 = tpu.memref_slice %arg2[%mul3A_2] : memref<65536xf32, #tpu.memory_space<hbm>> -> memref<4096xf32, #tpu.memory_space<hbm>>
      tpu.enqueue_dma source(%dma_start3A_17 : memref<4096xf32, #tpu.memory_space<hbm>>) target(%arg5 : memref<4096xf32, #tpu.memory_space<vmem>>) target_semaphore(%run_scoped3A : memref<!tpu.dma_semaphore, #tpu.memory_space<semaphore_mem>>)
      %dma_wait3A = tpu.memref_slice %arg2[%mul3A_2] : memref<65536xf32, #tpu.memory_space<hbm>> -> memref<4096xf32, #tpu.memory_space<hbm>>
      %dma_wait3A_18 = tpu.memref_slice %arg2[%mul3A_2] : memref<65536xf32, #tpu.memory_space<hbm>> -> memref<4096xf32, #tpu.memory_space<hbm>>
      tpu.wait_dma2 semaphore(%run_scoped3A : memref<!tpu.dma_semaphore, #tpu.memory_space<semaphore_mem>>) src(%dma_wait3A_18 : memref<4096xf32, #tpu.memory_space<hbm>>) dst(%arg5 : memref<4096xf32, #tpu.memory_space<vmem>>)
      tpu.yield
    }) : () -> ()
    "tpu.region"() ({
      %run_scoped3A = tpu.sem_alloc : memref<!tpu.dma_semaphore, #tpu.memory_space<semaphore_mem>>
      %dma_start3A = tpu.memref_slice %arg3[%mul3A_2] : memref<65536xi32, #tpu.memory_space<hbm>> -> memref<4096xi32, #tpu.memory_space<hbm>>
      %dma_start3A_17 = tpu.memref_slice %arg3[%mul3A_2] : memref<65536xi32, #tpu.memory_space<hbm>> -> memref<4096xi32, #tpu.memory_space<hbm>>
      tpu.enqueue_dma source(%dma_start3A_17 : memref<4096xi32, #tpu.memory_space<hbm>>) target(%arg6 : memref<4096xi32, #tpu.memory_space<vmem>>) target_semaphore(%run_scoped3A : memref<!tpu.dma_semaphore, #tpu.memory_space<semaphore_mem>>)
      %dma_wait3A = tpu.memref_slice %arg3[%mul3A_2] : memref<65536xi32, #tpu.memory_space<hbm>> -> memref<4096xi32, #tpu.memory_space<hbm>>
      %dma_wait3A_18 = tpu.memref_slice %arg3[%mul3A_2] : memref<65536xi32, #tpu.memory_space<hbm>> -> memref<4096xi32, #tpu.memory_space<hbm>>
      tpu.wait_dma2 semaphore(%run_scoped3A : memref<!tpu.dma_semaphore, #tpu.memory_space<semaphore_mem>>) src(%dma_wait3A_18 : memref<4096xi32, #tpu.memory_space<hbm>>) dst(%arg6 : memref<4096xi32, #tpu.memory_space<vmem>>)
      tpu.yield
    }) : () -> ()
    %broadcast_in_dim3A = arith.constant 0.000000e+00 : f32
    %broadcast_in_dim3A_3 = vector.broadcast %broadcast_in_dim3A : f32 to vector<16xf32>
    %scan3A = arith.constant 0 : i32
    %scan3A_4 = arith.constant 0 : i32
    %scan3A_5 = arith.constant 128 : i32
    %scan3A_6 = arith.addi %scan3A_4, %scan3A_5 : i32
    %scan3A_7 = arith.constant 1 : i32
    scf.for %scan3A_17 = %scan3A_4 to %scan3A_6 step %scan3A_7  : i32 {
      %swap3A = arith.index_cast %scan3A_17 : i32 to index
      %swap3A_18 = arith.constant 0 : index
      %swap3A_19 = tpu.vector_load %arg7[%swap3A, %swap3A_18] {strides = array<i32>} : memref<128x128xf32, #tpu.memory_space<vmem>>, vector<16xf32>,
      tpu.vector_store %arg7[%swap3A, %swap3A_18], %broadcast_in_dim3A_3 {strides = array<i32>} : memref<128x128xf32, #tpu.memory_space<vmem>>, vector<16xf32>,
      %swap3A_20 = arith.index_cast %scan3A_17 : i32 to index
      %swap3A_21 = arith.constant 16 : index
      %swap3A_22 = tpu.vector_load %arg7[%swap3A_20, %swap3A_21] {strides = array<i32>} : memref<128x128xf32, #tpu.memory_space<vmem>>, vector<16xf32>,
      tpu.vector_store %arg7[%swap3A_20, %swap3A_21], %broadcast_in_dim3A_3 {strides = array<i32>} : memref<128x128xf32, #tpu.memory_space<vmem>>, vector<16xf32>,
      %swap3A_23 = arith.index_cast %scan3A_17 : i32 to index
      %swap3A_24 = arith.constant 32 : index
      %swap3A_25 = tpu.vector_load %arg7[%swap3A_23, %swap3A_24] {strides = array<i32>} : memref<128x128xf32, #tpu.memory_space<vmem>>, vector<16xf32>,
      tpu.vector_store %arg7[%swap3A_23, %swap3A_24], %broadcast_in_dim3A_3 {strides = array<i32>} : memref<128x128xf32, #tpu.memory_space<vmem>>, vector<16xf32>,
      %swap3A_26 = arith.index_cast %scan3A_17 : i32 to index
      %swap3A_27 = arith.constant 48 : index
      %swap3A_28 = tpu.vector_load %arg7[%swap3A_26, %swap3A_27] {strides = array<i32>} : memref<128x128xf32, #tpu.memory_space<vmem>>, vector<16xf32>,
      tpu.vector_store %arg7[%swap3A_26, %swap3A_27], %broadcast_in_dim3A_3 {strides = array<i32>} : memref<128x128xf32, #tpu.memory_space<vmem>>, vector<16xf32>,
      %swap3A_29 = arith.index_cast %scan3A_17 : i32 to index
      %swap3A_30 = arith.constant 64 : index
      %swap3A_31 = tpu.vector_load %arg7[%swap3A_29, %swap3A_30] {strides = array<i32>} : memref<128x128xf32, #tpu.memory_space<vmem>>, vector<16xf32>,
      tpu.vector_store %arg7[%swap3A_29, %swap3A_30], %broadcast_in_dim3A_3 {strides = array<i32>} : memref<128x128xf32, #tpu.memory_space<vmem>>, vector<16xf32>,
      %swap3A_32 = arith.index_cast %scan3A_17 : i32 to index
      %swap3A_33 = arith.constant 80 : index
      %swap3A_34 = tpu.vector_load %arg7[%swap3A_32, %swap3A_33] {strides = array<i32>} : memref<128x128xf32, #tpu.memory_space<vmem>>, vector<16xf32>,
      tpu.vector_store %arg7[%swap3A_32, %swap3A_33], %broadcast_in_dim3A_3 {strides = array<i32>} : memref<128x128xf32, #tpu.memory_space<vmem>>, vector<16xf32>,
      %swap3A_35 = arith.index_cast %scan3A_17 : i32 to index
      %swap3A_36 = arith.constant 96 : index
      %swap3A_37 = tpu.vector_load %arg7[%swap3A_35, %swap3A_36] {strides = array<i32>} : memref<128x128xf32, #tpu.memory_space<vmem>>, vector<16xf32>,
      tpu.vector_store %arg7[%swap3A_35, %swap3A_36], %broadcast_in_dim3A_3 {strides = array<i32>} : memref<128x128xf32, #tpu.memory_space<vmem>>, vector<16xf32>,
      %swap3A_38 = arith.index_cast %scan3A_17 : i32 to index
      %swap3A_39 = arith.constant 112 : index
      %swap3A_40 = tpu.vector_load %arg7[%swap3A_38, %swap3A_39] {strides = array<i32>} : memref<128x128xf32, #tpu.memory_space<vmem>>, vector<16xf32>,
      tpu.vector_store %arg7[%swap3A_38, %swap3A_39], %broadcast_in_dim3A_3 {strides = array<i32>} : memref<128x128xf32, #tpu.memory_space<vmem>>, vector<16xf32>,
    }
    %scan3A_8 = arith.constant 128 : i32
    %broadcast_in_dim3A_9 = arith.constant 1.000000e+00 : f32
    %broadcast_in_dim3A_10 = vector.broadcast %broadcast_in_dim3A_9 : f32 to vector<16xf32>
    %scan3A_11 = arith.constant 0 : i32
    %scan3A_12 = arith.constant 0 : i32
    %scan3A_13 = arith.constant 64 : i32
    %scan3A_14 = arith.addi %scan3A_12, %scan3A_13 : i32
    %scan3A_15 = arith.constant 1 : i32
    scf.for %scan3A_17 = %scan3A_12 to %scan3A_14 step %scan3A_15  : i32 {
      %mul3A_18 = arith.constant 4 : i32
      %mul3A_19 = arith.muli %scan3A_17, %mul3A_18 : i32
      %add3A_20 = arith.constant 0 : i32
      %add3A_21 = arith.addi %mul3A_19, %add3A_20 : i32
      %mul3A_22 = arith.constant 16 : i32
      %mul3A_23 = arith.muli %add3A_21, %mul3A_22 : i32
      %get3A = arith.index_cast %mul3A_23 : i32 to index
      %get3A_24 = tpu.vector_load %arg5[%get3A] {strides = array<i32>} : memref<4096xf32, #tpu.memory_space<vmem>>, vector<16xf32>,
      %convert_element_type3A = arith.fptosi %get3A_24 : vector<16xf32> to vector<16xi32>
      %get3A_25 = arith.index_cast %mul3A_23 : i32 to index
      %get3A_26 = tpu.vector_load %arg6[%get3A_25] {strides = array<i32>} : memref<4096xi32, #tpu.memory_space<vmem>>, vector<16xi32>,
      tpu.vector_store_idx %arg7[%convert_element_type3A, %get3A_26], %broadcast_in_dim3A_10 {add = true} : memref<128x128xf32, #tpu.memory_space<vmem>>[vector<16xi32>, vector<16xi32>], vector<16xf32>,
      %mul3A_27 = arith.constant 4 : i32
      %mul3A_28 = arith.muli %scan3A_17, %mul3A_27 : i32
      %add3A_29 = arith.constant 1 : i32
      %add3A_30 = arith.addi %mul3A_28, %add3A_29 : i32
      %mul3A_31 = arith.constant 16 : i32
      %mul3A_32 = arith.muli %add3A_30, %mul3A_31 : i32
      %get3A_33 = arith.index_cast %mul3A_32 : i32 to index
      %get3A_34 = tpu.vector_load %arg5[%get3A_33] {strides = array<i32>} : memref<4096xf32, #tpu.memory_space<vmem>>, vector<16xf32>,
      %convert_element_type3A_35 = arith.fptosi %get3A_34 : vector<16xf32> to vector<16xi32>
      %get3A_36 = arith.index_cast %mul3A_32 : i32 to index
      %get3A_37 = tpu.vector_load %arg6[%get3A_36] {strides = array<i32>} : memref<4096xi32, #tpu.memory_space<vmem>>, vector<16xi32>,
      tpu.vector_store_idx %arg7[%convert_element_type3A_35, %get3A_37], %broadcast_in_dim3A_10 {add = true} : memref<128x128xf32, #tpu.memory_space<vmem>>[vector<16xi32>, vector<16xi32>], vector<16xf32>,
      %mul3A_38 = arith.constant 4 : i32
      %mul3A_39 = arith.muli %scan3A_17, %mul3A_38 : i32
      %add3A_40 = arith.constant 2 : i32
      %add3A_41 = arith.addi %mul3A_39, %add3A_40 : i32
      %mul3A_42 = arith.constant 16 : i32
      %mul3A_43 = arith.muli %add3A_41, %mul3A_42 : i32
      %get3A_44 = arith.index_cast %mul3A_43 : i32 to index
      %get3A_45 = tpu.vector_load %arg5[%get3A_44] {strides = array<i32>} : memref<4096xf32, #tpu.memory_space<vmem>>, vector<16xf32>,
      %convert_element_type3A_46 = arith.fptosi %get3A_45 : vector<16xf32> to vector<16xi32>
      %get3A_47 = arith.index_cast %mul3A_43 : i32 to index
      %get3A_48 = tpu.vector_load %arg6[%get3A_47] {strides = array<i32>} : memref<4096xi32, #tpu.memory_space<vmem>>, vector<16xi32>,
      tpu.vector_store_idx %arg7[%convert_element_type3A_46, %get3A_48], %broadcast_in_dim3A_10 {add = true} : memref<128x128xf32, #tpu.memory_space<vmem>>[vector<16xi32>, vector<16xi32>], vector<16xf32>,
      %mul3A_49 = arith.constant 4 : i32
      %mul3A_50 = arith.muli %scan3A_17, %mul3A_49 : i32
      %add3A_51 = arith.constant 3 : i32
      %add3A_52 = arith.addi %mul3A_50, %add3A_51 : i32
      %mul3A_53 = arith.constant 16 : i32
      %mul3A_54 = arith.muli %add3A_52, %mul3A_53 : i32
      %get3A_55 = arith.index_cast %mul3A_54 : i32 to index
      %get3A_56 = tpu.vector_load %arg5[%get3A_55] {strides = array<i32>} : memref<4096xf32, #tpu.memory_space<vmem>>, vector<16xf32>,
      %convert_element_type3A_57 = arith.fptosi %get3A_56 : vector<16xf32> to vector<16xi32>
      %get3A_58 = arith.index_cast %mul3A_54 : i32 to index
      %get3A_59 = tpu.vector_load %arg6[%get3A_58] {strides = array<i32>} : memref<4096xi32, #tpu.memory_space<vmem>>, vector<16xi32>,
      tpu.vector_store_idx %arg7[%convert_element_type3A_57, %get3A_59], %broadcast_in_dim3A_10 {add = true} : memref<128x128xf32, #tpu.memory_space<vmem>>[vector<16xi32>, vector<16xi32>], vector<16xf32>,
    }
    %scan3A_16 = arith.constant 64 : i32
    "tpu.region"() ({
      %run_scoped3A = tpu.sem_alloc : memref<!tpu.dma_semaphore, #tpu.memory_space<semaphore_mem>>
      %dma_start3A = arith.constant 0 : i32
      %dma_start3A_17 = arith.constant 0 : i32
      %dma_start3A_18 = tpu.memref_slice %arg4[%add3A, %dma_start3A, %dma_start3A_17] : memref<16x128x128xf32, #tpu.memory_space<hbm>> -> memref<1x128x128xf32, #tpu.memory_space<hbm>>
      %dma_start3A_19 = tpu.memref_squeeze %dma_start3A_18 : memref<1x128x128xf32, #tpu.memory_space<hbm>> -> memref<128x128xf32, #tpu.memory_space<hbm>>
      %dma_start3A_20 = arith.constant 0 : i32
      %dma_start3A_21 = arith.constant 0 : i32
      %dma_start3A_22 = tpu.memref_slice %arg4[%add3A, %dma_start3A_20, %dma_start3A_21] : memref<16x128x128xf32, #tpu.memory_space<hbm>> -> memref<1x128x128xf32, #tpu.memory_space<hbm>>
      %dma_start3A_23 = tpu.memref_squeeze %dma_start3A_22 : memref<1x128x128xf32, #tpu.memory_space<hbm>> -> memref<128x128xf32, #tpu.memory_space<hbm>>
      tpu.enqueue_dma source(%arg7 : memref<128x128xf32, #tpu.memory_space<vmem>>) target(%dma_start3A_23 : memref<128x128xf32, #tpu.memory_space<hbm>>) target_semaphore(%run_scoped3A : memref<!tpu.dma_semaphore, #tpu.memory_space<semaphore_mem>>)
      %dma_wait3A = arith.constant 0 : i32
      %dma_wait3A_24 = arith.constant 0 : i32
      %dma_wait3A_25 = tpu.memref_slice %arg4[%add3A, %dma_wait3A, %dma_wait3A_24] : memref<16x128x128xf32, #tpu.memory_space<hbm>> -> memref<1x128x128xf32, #tpu.memory_space<hbm>>
      %dma_wait3A_26 = tpu.memref_squeeze %dma_wait3A_25 : memref<1x128x128xf32, #tpu.memory_space<hbm>> -> memref<128x128xf32, #tpu.memory_space<hbm>>
      %dma_wait3A_27 = arith.constant 0 : i32
      %dma_wait3A_28 = arith.constant 0 : i32
      %dma_wait3A_29 = tpu.memref_slice %arg4[%add3A, %dma_wait3A_27, %dma_wait3A_28] : memref<16x128x128xf32, #tpu.memory_space<hbm>> -> memref<1x128x128xf32, #tpu.memory_space<hbm>>
      %dma_wait3A_30 = tpu.memref_squeeze %dma_wait3A_29 : memref<1x128x128xf32, #tpu.memory_space<hbm>> -> memref<128x128xf32, #tpu.memory_space<hbm>>
      tpu.wait_dma2 semaphore(%run_scoped3A : memref<!tpu.dma_semaphore, #tpu.memory_space<semaphore_mem>>) src(%arg7 : memref<128x128xf32, #tpu.memory_space<vmem>>) dst(%dma_wait3A_30 : memref<128x128xf32, #tpu.memory_space<hbm>>)
      tpu.yield
    }) : () -> ()
    return
  }
}

module attributes {stable_mosaic.version = 14 : i64} {
  func.func @_argmax_body(%arg0: i32, %arg1: memref<64x128x128xf32, #tpu.memory_space<vmem>>, %arg2: memref<1x1x128xf32, #tpu.memory_space<vmem>>, %arg3: memref<64x128xf32, #tpu.memory_space<vmem>>) attributes {dimension_semantics = [#tpu.dimension_semantics<arbitrary>], iteration_bounds = array<i64: 8>, scalar_prefetch = 0 : i64, scratch_operands = 0 : i64, tpu.core_type = #tpu.core_type<tc>, window_params = [{transform_indices = @transform_0, window_bounds = array<i64: 64, 128, 128>}, {pipeline_mode = #tpu.pipeline_mode<synchronous>, transform_indices = @transform_1, window_bounds = array<i64: 1, 1, 128>}, {transform_indices = @transform_2, window_bounds = array<i64: 64, 128>}]} {
    %get3A = arith.constant 0 : index
    %get3A_0 = arith.constant 0 : index
    %get3A_1 = arith.constant 0 : index
    %get3A_2 = vector.load %arg1[%get3A, %get3A_0, %get3A_1] : memref<64x128x128xf32, #tpu.memory_space<vmem>>, vector<64x128x128xf32>
    %reduce_max3A = arith.constant dense<0xFF800000> : vector<64x128xf32>
    %reduce_max3A_3 = vector.multi_reduction <maximumf>, %get3A_2, %reduce_max3A [2] : vector<64x128x128xf32> to vector<64x128xf32>
    %broadcast_in_dim3A = vector.shape_cast %reduce_max3A_3 : vector<64x128xf32> to vector<64x128x1xf32>
    %get3A_4 = arith.constant 0 : index
    %get3A_5 = arith.constant 0 : index
    %get3A_6 = arith.constant 0 : index
    %get3A_7 = vector.load %arg2[%get3A_4, %get3A_5, %get3A_6] : memref<1x1x128xf32, #tpu.memory_space<vmem>>, vector<1x1x128xf32>
    %eq3A = vector.broadcast %broadcast_in_dim3A : vector<64x128x1xf32> to vector<64x128x128xf32>
    %eq3A_8 = arith.cmpf oeq, %get3A_2, %eq3A : vector<64x128x128xf32>
    %jit3A = arith.constant 1.280000e+02 : f32
    %broadcast_in_dim3A_9 = vector.shape_cast %get3A_7 : vector<1x1x128xf32> to vector<1x1x128xf32>
    %broadcast_in_dim3A_10 = vector.broadcast %broadcast_in_dim3A_9 : vector<1x1x128xf32> to vector<64x128x128xf32>
    %broadcast_in_dim3A_11 = vector.broadcast %jit3A : f32 to vector<64x128x128xf32>
    %select_n3A = arith.select %eq3A_8, %broadcast_in_dim3A_10, %broadcast_in_dim3A_11 : vector<64x128x128xi1>, vector<64x128x128xf32>
    %reduce_min3A = arith.constant dense<0x7F800000> : vector<64x128xf32>
    %reduce_min3A_12 = vector.multi_reduction <minimumf>, %select_n3A, %reduce_min3A [2] : vector<64x128x128xf32> to vector<64x128xf32>
    %swap3A = arith.constant 0 : index
    %swap3A_13 = arith.constant 0 : index
    %swap3A_14 = vector.load %arg3[%swap3A, %swap3A_13] : memref<64x128xf32, #tpu.memory_space<vmem>>, vector<64x128xf32>
    tpu.vector_store %arg3[%swap3A, %swap3A_13], %reduce_min3A_12 {strides = array<i32>} : memref<64x128xf32, #tpu.memory_space<vmem>>, vector<64x128xf32>,
    return
  }
  func.func @transform_0(%arg0: i32) -> (i32, i32, i32) {
    %c0_i32 = arith.constant 0 : i32
    %c0_i32_0 = arith.constant 0 : i32
    %c0_i32_1 = arith.constant 0 : i32
    return %arg0, %c0_i32, %c0_i32_0 : i32, i32, i32
  }
  func.func @transform_1(%arg0: i32) -> (i32, i32, i32) {
    %c0_i32 = arith.constant 0 : i32
    %c0_i32_0 = arith.constant 0 : i32
    %c0_i32_1 = arith.constant 0 : i32
    %c0_i32_2 = arith.constant 0 : i32
    return %c0_i32, %c0_i32_0, %c0_i32_1 : i32, i32, i32
  }
  func.func @transform_2(%arg0: i32) -> (i32, i32) {
    %c0_i32 = arith.constant 0 : i32
    %c0_i32_0 = arith.constant 0 : i32
    return %arg0, %c0_i32 : i32, i32
  }
}

module attributes {stable_mosaic.version = 14 : i64} {
  func.func @_finish_body(%arg0: memref<16x128x128xf32, #tpu.memory_space<vmem>>, %arg1: memref<1x1xf32, #tpu.memory_space<vmem>>) attributes {dimension_semantics = [], scalar_prefetch = 0 : i64, scratch_operands = 0 : i64, tpu.core_type = #tpu.core_type<tc>} {
    %get3A = arith.constant 0 : index
    %get3A_0 = arith.constant 0 : index
    %get3A_1 = arith.constant 0 : index
    %get3A_2 = vector.load %arg0[%get3A, %get3A_0, %get3A_1] : memref<16x128x128xf32, #tpu.memory_space<vmem>>, vector<16x128x128xf32>
    %reduce_sum3A = arith.constant dense<0.000000e+00> : vector<128x128xf32>
    %reduce_sum3A_3 = vector.multi_reduction <add>, %get3A_2, %reduce_sum3A [0] : vector<16x128x128xf32> to vector<128x128xf32>
    %reduce_max3A = arith.constant dense<0xFF800000> : vector<128xf32>
    %reduce_max3A_4 = vector.multi_reduction <maximumf>, %reduce_sum3A_3, %reduce_max3A [1] : vector<128x128xf32> to vector<128xf32>
    %broadcast_in_dim3A = vector.shape_cast %reduce_max3A_4 : vector<128xf32> to vector<128x1xf32>
    %reduce_sum3A_5 = arith.constant dense<0.000000e+00> : vector<1xf32>
    %reduce_sum3A_6 = vector.multi_reduction <add>, %broadcast_in_dim3A, %reduce_sum3A_5 [0] : vector<128x1xf32> to vector<1xf32>
    %broadcast_in_dim3A_7 = vector.shape_cast %reduce_sum3A_6 : vector<1xf32> to vector<1x1xf32>
    %mul3A = arith.constant 1.52587891E-5 : f32
    %mul3A_8 = vector.broadcast %mul3A : f32 to vector<1x1xf32>
    %mul3A_9 = arith.mulf %broadcast_in_dim3A_7, %mul3A_8 : vector<1x1xf32>
    %swap3A = arith.constant 0 : index
    %swap3A_10 = arith.constant 0 : index
    %swap3A_11 = vector.load %arg1[%swap3A, %swap3A_10] : memref<1x1xf32, #tpu.memory_space<vmem>>, vector<1x1xf32>
    tpu.vector_store %arg1[%swap3A, %swap3A_10], %mul3A_9 {strides = array<i32>} : memref<1x1xf32, #tpu.memory_space<vmem>>, vector<1x1xf32>,
    return
  }
}

</mosaic_0001>

<sc_bundles>
// kernel: kernel.5.cloned.1.call-start
scs
__scs_entry_jumppad:
0x0: {  	(pc) =	sbr.rel $0x88, $3  }
0x1: {  	(tag) =	ssettag $0x0;
	lr =	simm.s32 $0x1  }
0x2: {  	[smem:$0x3F9F] =	sst lr;
	_ =	strace $0xD0000000  }
0x3: {  	_ = 	snop  }
0x4: {  	_ = 	snop  }
0x5: {  	_ = 	snop  }
0x6: {  	_ = 	snop  }
0x7: {  	_ = 	snop  }
__scs_overlays_trampoline_lowered:
0x8: {  	[smem:$0x3FAE] =	sst s0  }
0x9: {  	[smem:$0x3FAF] =	sst s1  }
0xa: {  	[smem:$0x3FB0] =	sst s2  }
0xb: {  	[smem:$0x3FB1] =	sst s3  }
0xc: {  	[smem:$0x3FB2] =	sst s4  }
0xd: {  	[smem:$0x3FB3] =	sst s5  }
0xe: {  	[smem:$0x3FB4] =	sst s6  }
0xf: {  	[smem:$0x3FB5] =	sst s7  }
0x10: {  	[smem:$0x3FB6] =	sst s8  }
0x11: {  	[smem:$0x3FB7] =	sst s9;
	s0 =	simm.s32 @!p0 $0x0  }
0x12: {  	s1 =	sld [smem:$0x3F9D];
	s0 =	simm.s32 @p0 $0x1  }
0x13: {  	[smem:$0x3FB8] =	sst s0;
	s0 =	simm.s32 @!p1 $0x0  }
0x14: {  	s2 =	sld [smem:$0x3F9C];
	s0 =	simm.s32 @p1 $0x1  }
0x15: {  	[smem:$0x3FB9] =	sst s0;
	s0 =	simm.s32 @!p2 $0x0  }
0x16: {  	s3 =	sld [smem:$0x3FDB];
	s0 =	simm.s32 @p2 $0x1  }
0x17: {  	s4 =	simm.s32 $0x1BF5;
	[smem:$0x3FBB] =	sst s0  }
0x18: {  	s0 =	sld [smem:$0x3F9E];
	_ =	swait.ge [sflag:s4], $0x0  }
0x19: {  	s7 =	sld [smem:$0x3F9F]  }
0x1a: {  	s8 =	sadd.s32 $0xFFFFE003, lr  }
0x1b: {  	s9 =	sadd.s32 $0xFFFFFEF7, lr;
	s5 =	simm.s32 $0xFFFFFFFF;
	p2 =	slt.u32 s8, $0xFFFFF086  }
0x1c: {  	p1 =	slt.u32 s9, $0xF7A;
	s5 =	simm.s32 @!p2 $0x0  }
0x1d: {  	s5 =	simm.s32 @p1 $0x1;
	p0 =	seq.s32 s7, s2  }
0x1e: {  	s7 =	smul.u32 @!p0 $0xF7A, s2;
	p2 =	seq.s32 @!p0 s5, $0x0  }
0x1f: {  	s9 =	smul.u32 $0xF7A, s1;
	s8 =	simm.s32 @!p0 $0x1BF5;
	p2 =	por !p2, p0  }
0x20: {  	[sflag:s8] =	ssyncset.s32 @!p0 $0xFFFFF086;
	s6 =	sadd.s32 @!p0 s3, s7;
	s7 =	simm.s32 @!p0 $0x108  }
0x21: {  	s3 =	sadd.s32 s3, s9;
	s6 =	sadd.s32 @!p0 $0x88, s6;
	s7 =	simm.s32 @p2 $0x1082  }
0x22: {  	[simem:s7], [sflag:s8] =	dma.local @!p0 [hbm:s6], $0xF7A  }
0x23: {  	s9 =	sor.u32 $0xD0000000, s2;
	s6 =	simm.s32 $0x108;
	_ =	swait.ge @!p0 [sflag:s8], $0x0  }
0x24: {  	s3 =	sadd.s32 $0x88, s3;
	s6 =	simm.s32 @!p1 $0x1082;
	[sflag:s4] =	ssyncset.s32 $0xFFFFF086  }
0x25: {  	[simem:s6], [sflag:s4] =	dma.local [hbm:s3], $0xF7A  }
0x26: {  	[smem:$0x3F9F] =	sst s1;
	(tag) =	ssettag s2;
	_ =	strace s9  }
0x27: {  	s1 =	sld [smem:$0x3FAF]  }
0x28: {  	s2 =	sld [smem:$0x3FB0]  }
0x29: {  	s4 =	sld [smem:$0x3FB2]  }
0x2a: {  	p0 =	seq.s32 s5, $0x0;
	s5 =	sld [smem:$0x3FB3]  }
0x2b: {  	s6 =	sld [smem:$0x3FB4]  }
0x2c: {  	s7 =	sld [smem:$0x3FB5]  }
0x2d: {  	s3 =	simm.s32 $0x108;
	s8 =	sld [smem:$0x3FB6]  }
0x2e: {  	s3 =	simm.s32 @!p0 $0x1082;
	s9 =	sld [smem:$0x3FB7]  }
0x2f: {  	lr =	sadd.s32 s0, s3;
	s0 =	sld [smem:$0x3FAE]  }
0x30: {  	s3 =	sld [smem:$0x3FB1]  }
0x31: {  	[smem:$0x3FBA] =	sst s10  }
0x32: {  	s10 =	sld [smem:$0x3FB8];
	_ =	sdelay $0x3  }
0x33: {  	p0 =	seq.s32 s10, $0x1;
	s10 =	sld [smem:$0x3FBA];
	_ =	sdelay $0x3  }
0x34: {  	[smem:$0x3FBA] =	sst s10  }
0x35: {  	s10 =	sld [smem:$0x3FB9];
	_ =	sdelay $0x3  }
0x36: {  	p1 =	seq.s32 s10, $0x1;
	s10 =	sld [smem:$0x3FBA];
	_ =	sdelay $0x3  }
0x37: {  	[smem:$0x3FBA] =	sst s10  }
0x38: {  	s10 =	sld [smem:$0x3FBB]  }
0x39: {  	_ = 	snop;
	(pc) =	sbr.ind lr, $3  }
0x3a: {  	_ = 	snop  }
0x3b: {  	_ = 	snop  }
0x3c: {  	p2 =	seq.s32 s10, $0x1;
	s10 =	sld [smem:$0x3FBA]  }
0x3d: {  	_ =	shalt  }
0x3e: {  	_ =	shalt  }
0x3f: {  	_ =	shalt  }
0x40: {  	_ =	shalt  }
0x41: {  	_ =	shalt  }
0x42: {  	_ =	shalt  }
0x43: {  	_ =	shalt  }
0x44: {  	_ =	shalt  }
0x45: {  	_ =	shalt  }
0x46: {  	_ =	shalt  }
0x47: {  	_ =	shalt  }
0x48: {  	_ =	shalt  }
0x49: {  	_ =	shalt  }
0x4a: {  	_ =	shalt  }
0x4b: {  	_ =	shalt  }
0x4c: {  	_ =	shalt  }
0x4d: {  	_ =	shalt  }
0x4e: {  	_ =	shalt  }
0x4f: {  	_ =	shalt  }
0x50: {  	_ =	shalt  }
0x51: {  	_ =	shalt  }
0x52: {  	_ =	shalt  }
0x53: {  	_ =	shalt  }
0x54: {  	_ =	shalt  }
0x55: {  	_ =	shalt  }
0x56: {  	_ =	shalt  }
0x57: {  	_ =	shalt  }
0x58: {  	_ =	shalt  }
0x59: {  	_ =	shalt  }
0x5a: {  	_ =	shalt  }
0x5b: {  	_ =	shalt  }
0x5c: {  	_ =	shalt  }
0x5d: {  	_ =	shalt  }
0x5e: {  	_ =	shalt  }
0x5f: {  	_ =	shalt  }
0x60: {  	_ =	shalt  }
0x61: {  	_ =	shalt  }
0x62: {  	_ =	shalt  }
0x63: {  	_ =	shalt  }
0x64: {  	_ =	shalt  }
0x65: {  	_ =	shalt  }
0x66: {  	_ =	shalt  }
0x67: {  	_ =	shalt  }
0x68: {  	_ =	shalt  }
0x69: {  	_ =	shalt  }
0x6a: {  	_ =	shalt  }
0x6b: {  	_ =	shalt  }
0x6c: {  	_ =	shalt  }
0x6d: {  	_ =	shalt  }
0x6e: {  	_ =	shalt  }
0x6f: {  	_ =	shalt  }
0x70: {  	_ =	shalt  }
0x71: {  	_ =	shalt  }
0x72: {  	_ =	shalt  }
0x73: {  	_ =	shalt  }
0x74: {  	_ =	shalt  }
0x75: {  	_ =	shalt  }
0x76: {  	_ =	shalt  }
0x77: {  	_ =	shalt  }
0x78: {  	_ =	shalt  }
0x79: {  	_ =	shalt  }
0x7a: {  	_ =	shalt  }
0x7b: {  	_ =	shalt  }
0x7c: {  	_ =	shalt  }
0x7d: {  	_ =	shalt  }
0x7e: {  	_ =	shalt  }
0x7f: {  	_ =	shalt  }
0x80: {  	_ =	shalt  }
0x81: {  	_ =	shalt  }
0x82: {  	_ =	shalt  }
0x83: {  	_ =	shalt  }
0x84: {  	_ =	shalt  }
0x85: {  	_ =	shalt  }
0x86: {  	_ =	shalt  }
0x87: {  	_ =	shalt  }
.Lfunc_end0:
.L_simem_size_0:
called_computation_lowered:
.L_overlay_start_0:
0x88: {  	s0 =	sld [smem:$0x3FD9]  }
0x89: {  	s1 =	sld [smem:$0x3FFE];
	_ =	sdelay $0x3  }
0x8a: {  	s0 =	sadd.s32 s1, s0  }
0x8b: {  	[smem:$0x3FC6] =	sst s0  }
0x8c: {  	_ = 	snop  }
0x8d: {  	s0 =	sld [smem:$0x3FC8];
	(tm) =	ssettm $0x1  }
0x8e: {  	s16 =	sld [smem:$0x3FFB];
	_ =	sdelay $0x3  }
0x8f: {  	_ =	strace s16  }
0x90: {  	s1 =	sld [smem:$0x3FFC];
	_ =	sdelay $0x3  }
0x91: {  	_ =	strace s1  }
0x92: {  	s1 =	sld [smem:$0x3FFD];
	_ =	sdelay $0x3  }
0x93: {  	_ =	strace s1  }
0x94: {  	_ =	strace $0x8FFFFFFF  }
0x95: {  	s17 =	sld [smem:$0x3FDB];
	_ =	sdelay $0x1  }
0x96: {  	s2 =	simm.s32 $_scs_section_size  }
0x97: {  	s3 =	simm.s32 $_size__tile_overlayer_lowered;
	s4 =	simm.s32 $_tile_overlayer_lowered  }
0x98: {  	s20 =	simm.s32 $0x1BFF;
	s19 =	sshll.u32 s4, $0x1;
	s1 =	sadd.s32 s2, s17  }
0x99: {  	s5 =	simm.s32 $0x0;
	s18 =	sshll.u32 s3, $0x1;
	s3 =	sadd.s32 s19, s1  }
0x9a: {  	[timem:s5], [sflag:s20] =	dma.local [hbm:s3], s18  }
0x9b: {  	_ =	swait.ge [sflag:s20], s18  }
0x9c: {  	s2 =	ssub.s32 $0x0, s18;
	[sflag:s20] =	ssyncset.done $0x0  }
0x9d: {  	[sflag:s20] =	ssyncadd.s32 s2;
	_ =	sdelay $0x1  }
0x9e: {  	s21 =	simm.s32 $0x1B8B  }
0x9f: {  	_ =	swait.ge [sflag:s21], $0x1  }
0xa0: {  	[sflag:s21] =	ssyncset.done $0x0  }
0xa1: {  	s23 =	simm.s32 $0x1B8E;
	s22 =	sld [smem:$0x3FFE];
	[sflag:s21] =	ssyncadd.s32 $0xFFFFFFFF  }
0xa2: {  	s24 =	simm.s32 $execute0_lowered;
	[smem:$0x3FD2] =	sst s23  }
0xa3: {  	s3 =	sshll.u32 s24, $0x1;
	_ =	strace $0x80000046;
	[dreg:$0x1] =	wrdreg $0xFFFFFFFF  }
0xa4: {  	s25 =	simm.s32 $_size_execute0_lowered;
	s1 =	sadd.s32 s1, s3;
	[dreg:$0x0] =	wrdreg $0x0  }
0xa5: {  	s3 =	sshll.u32 s25, $0x1;
	[dreg:$0x2] =	wrdreg s1  }
0xa6: {  	[dreg:$0x3] =	wrdreg s3  }
0xa7: {  	[dreg:$0x4] =	wrdreg $0xC0  }
0xa8: {  	_ =	task [dreg:s5], $0x5FFFF  }
0xa9: {  	[dreg:$0x1] =	wrdreg $0xFFFFFFFF  }
0xaa: {  	[dreg:$0x0] =	wrdreg $0x60  }
0xab: {  	[dreg:$0x2] =	wrdreg s22  }
0xac: {  	[dreg:$0x3] =	wrdreg s0  }
0xad: {  	[dreg:$0x4] =	wrdreg $0x9  }
0xae: {  	_ =	task.clear_ibuf [dreg:s5], $0x5FFFF;
	_ =	strace $0x90000046  }
0xaf: {  	s26 =	simm.s32 $0x9;
	_ =	strace $0x80000048  }
0xb0: {  	_ =	swait.ge [sflag:s26], $0x1  }
0xb1: {  	[sflag:s26] =	ssyncadd.s32 $0xFFFFFFFF  }
0xb2: {  	_ =	strace $0x90000048  }
0xb3: {  	_ =	sfence  }
0xb4: {  	s28 =	sld [smem:$0x0];
	_ =	sdelay $0x1  }
0xb5: {  	s29 =	srdreg.scid  }
0xb6: {  	s30 =	sshll.u32 s29, $0xD;
	s31 =	sshrl.u32 s29, $0x2  }
0xb7: {  	s2 =	sand.u32 $0x4000, s30;
	s1 =	sand.u32 $0x1, s29;
	s0 =	sadd.s32 s31, s28  }
0xb8: {  	s1 =	sor.u32 s2, s1;
	s0 =	sshll.u32 s0, $0x11  }
0xb9: {  	s0 =	sor.u32 s0, s1  }
0xba: {  	s0 =	sadd.s32 $0x8F2B, s0  }
0xbb: {  	[sflag:s0] =	ssyncadd.remote.s32 $0x1  }
0xbc: {  	_ =	sfence.sel $0xFFFF  }
0xbd: {  	[dreg:$0x0] =	wrdreg $0xFFFFFFFF;
	(pc) =	sbr.abs _section_cstart, $3  }
0xbe: {  	[dreg:$0x1] =	wrdreg $0xFFFFFFFF  }
0xbf: {  	_ =	task.clear_ibuf [dreg:s5], $0x2FFFF;
	_ =	strace $0x9FFFFFFF  }
0xc0: {  	(tm) =	ssettm $0x7FFFFFFF  }
0xc1: {  	_ =	shalt  }
tec
execute0_lowered:
.L_overlay_start_1:
0x0: {  	(tag) =	ssettag $0x1  }
0x1: {  	s2 =	rddreg [dreg:$0x0]  }
0x2: {  	s3 =	rddreg [dreg:$0x1];
	s1 =	stileid.u32  }
0x3: {  	s0 =	rddreg [dreg:$0x2];
	s4 =	simm.s32 $0x0;
	s5 =	sshll.u32 s1, $0x9  }
0x4: {  	[smem:$0x7FF] =	sst s4;
	s6 =	sadd.s32 s5, s2  }
0x5: {  	s30 =	simm.s32 $0x1;
	_ =	strace $0x80000047;
	s6 =	sadd.s32 $0xA00, s6  }
0x6: {  	[tilespmem:s4], [sflag:$0x1] =	stream.linear.gather [hbm4b:s6+s4], $0x1000, $0x38;
	[tilespmem:$0x6000] =	vst v63  }
0x7: {  	_ =	swait.ge [sflag:s30], $0x1000  }
0x8: {  	[sflag:s30] =	ssyncset.done $0x0  }
0x9: {  	s31 =	simm.s32 $0x1000;
	s3 =	sadd.s32 s3, s5;
	[sflag:s30] =	ssyncadd.s32 $0xFFFFF000  }
0xa: {  	[tilespmem:s31], [sflag:$0x1] =	stream.linear.gather [hbm4b:s3+s4], $0x1000, $0x38;
	[tilespmem:$0x6000] =	vst v63  }
0xb: {  	_ =	swait.ge [sflag:s30], $0x1000  }
0xc: {  	s2 =	sadd.s32 $0x2A00, s2;
	[sflag:s30] =	ssyncset.done $0x0  }
0xd: {  	v0 =	vimm.f32 $0.0e+00;
	s3 =	simm.s32 $0x0;
	s4 =	simm.s32 $0x200;
	[sflag:s30] =	ssyncadd.s32 $0xFFFFF000  }
.LBB2_1:
0xe: {  	p0 =	sne.s32 s4, $0xFE00;
	[tilespmem:s3+$0x2070] =	vst v0  }
0xf: {  	[tilespmem:s3+$0x2000] =	vst v0  }
0x10: {  	[tilespmem:s3+$0x2010] =	vst v0  }
.Ltmp0:
0x11: {  	[tilespmem:s3+$0x2020] =	vst v0;
	(pc) =	sbr.rel @p0 .LBB2_1-.Ltmp0, $4  }
0x12: {  	[tilespmem:s3+$0x2030] =	vst v0  }
0x13: {  	[tilespmem:s3+$0x2040] =	vst v0  }
0x14: {  	[tilespmem:s3+$0x2050] =	vst v0  }
0x15: {  	[tilespmem:s3+$0x2060] =	vst v0;
	s3 =	sshra.s32 s4, $0x2;
	s4 =	sadd.s32 $0x200, s4  }
0x16: {  	[tilespmem:s3+$0x2070] =	vst v0  }
0x17: {  	[tilespmem:s3+$0x2000] =	vst v0  }
0x18: {  	[tilespmem:s3+$0x2010] =	vst v0  }
0x19: {  	[tilespmem:s3+$0x2020] =	vst v0  }
0x1a: {  	[tilespmem:s3+$0x2030] =	vst v0  }
0x1b: {  	[tilespmem:s3+$0x2040] =	vst v0  }
0x1c: {  	[tilespmem:s3+$0x2050] =	vst v0  }
0x1d: {  	[tilespmem:s3+$0x2060] =	vst v0;
	s3 =	simm.s32 $0x0;
	v0 =	vimm.f32 $1.000000000e+00;
	s4 =	simm.s32 $0x2000  }
.LBB2_3:
0x1e: {  	s5 =	sshra.s32 s3, $0x2  }
0x1f: {  	v1 =	vld [tilespmem:s5+$0x0];
	_ =	sdelay $0x2  }
0x20: {  	v2 =	vld [tilespmem:s5+$0x1000];
	_ =	sdelay $0x1  }
0x21: {  	v1 =	vtrunc.f32 v1  }
0x22: {  	v1 =	vcvt.f32.s32 v1;
	_ =	sdelay $0x1  }
0x23: {  	v3 =	vand.u32 $0xFFFFFF80, v2;
	v1 =	vshll.u32 v1, $0x7  }
0x24: {  	v2 =	vand.u32 $0x7F, v2;
	v1 =	vadd.s32 v3, v1  }
0x25: {  	v1 =	vor.u32 v2, v1;
	_ =	sdelay $0x4  }
0x26: {  	[tilespmem:v1+s4+$0x0] =	vst.idx.add.f32.msk $0xffff, v0  }
0x27: {  	v1 =	vld [tilespmem:s5+$0x10];
	_ =	sdelay $0x2  }
0x28: {  	v2 =	vld [tilespmem:s5+$0x1010];
	_ =	sdelay $0x1  }
0x29: {  	v1 =	vtrunc.f32 v1  }
0x2a: {  	v1 =	vcvt.f32.s32 v1;
	_ =	sdelay $0x1  }
0x2b: {  	v3 =	vand.u32 $0xFFFFFF80, v2;
	v1 =	vshll.u32 v1, $0x7  }
0x2c: {  	v2 =	vand.u32 $0x7F, v2;
	v1 =	vadd.s32 v3, v1  }
0x2d: {  	v1 =	vor.u32 v2, v1;
	_ =	sdelay $0x4  }
0x2e: {  	[tilespmem:v1+s4+$0x0] =	vst.idx.add.f32.msk $0xffff, v0  }
0x2f: {  	v1 =	vld [tilespmem:s5+$0x20];
	_ =	sdelay $0x2  }
0x30: {  	v2 =	vld [tilespmem:s5+$0x1020];
	_ =	sdelay $0x1  }
0x31: {  	v1 =	vtrunc.f32 v1  }
0x32: {  	v1 =	vcvt.f32.s32 v1;
	_ =	sdelay $0x1  }
0x33: {  	v3 =	vand.u32 $0xFFFFFF80, v2;
	v1 =	vshll.u32 v1, $0x7  }
0x34: {  	v2 =	vand.u32 $0x7F, v2;
	v1 =	vadd.s32 v3, v1  }
0x35: {  	v1 =	vor.u32 v2, v1;
	_ =	sdelay $0x4  }
0x36: {  	[tilespmem:v1+s4+$0x0] =	vst.idx.add.f32.msk $0xffff, v0  }
0x37: {  	v1 =	vld [tilespmem:s5+$0x30];
	_ =	sdelay $0x2  }
0x38: {  	v2 =	vld [tilespmem:s5+$0x1030];
	_ =	sdelay $0x1  }
0x39: {  	v1 =	vtrunc.f32 v1  }
0x3a: {  	v1 =	vcvt.f32.s32 v1;
	_ =	sdelay $0x1  }
0x3b: {  	v3 =	vand.u32 $0xFFFFFF80, v2;
	v1 =	vshll.u32 v1, $0x7  }
0x3c: {  	v2 =	vand.u32 $0x7F, v2;
	v1 =	vadd.s32 v3, v1  }
0x3d: {  	p0 =	sne.s32 s3, $0x3F00;
	v1 =	vor.u32 v2, v1  }
.Ltmp1:
0x3e: {  	_ = 	snop;
	(pc) =	sbr.rel @p0 .LBB2_3-.Ltmp1, $2  }
0x3f: {  	_ =	sdelay $0x2  }
0x40: {  	s3 =	sadd.s32 $0x100, s3;
	[tilespmem:v1+s4+$0x0] =	vst.idx.add.f32.msk $0xffff, v0  }
0x41: {  	s3 =	sshll.u32 s1, $0xB;
	s30 =	simm.s32 $0x0  }
0x42: {  	s4 =	simm.s32 $0x2000;
	s31 =	simm.s32 $0x1;
	s2 =	sadd.s32 s2, s3  }
0x43: {  	[hbm4b:s2+s30] =	stream.linear.scatter [tilespmem:s4], [sflag:$0x1], $0x4000, $0x38;
	[tilespmem:$0x6000] =	vst v63  }
0x44: {  	_ =	swait.ge [sflag:s31], $0x4000  }
0x45: {  	[sflag:s31] =	ssyncset.done $0x0  }
0x46: {  	[sflag:s31] =	ssyncadd.s32 $0xFFFFC000  }
0x47: {  	_ =	sfence.sel $0x180000  }
0x48: {  	[bflag:$0x0] =	sbarrier.arrive $0xFFFF  }
0x49: {  	p0 =	sne.s32 s1, $0x0;
	_ =	strace $0x90000047  }
0x4a: {  	s0 =	sadd.s32 @!p0 $0x100000, s0;
	[bflag:$0x2] =	sbarrier.arrive $0xFFFF  }
0x4b: {  	[sflag:s0] =	ssyncadd.tile.s32 @!p0 $0x1;
	_ =	shalt  }
.Lfunc_end2:
_tile_overlayer_lowered:
.L_overlay_start_2:
0x4c: {  	(tag) =	ssettag $0x2  }
0x4d: {  	s0 =	rddreg [dreg:$0x0];
	s2 =	stileid.u32  }
0x4e: {  	s1 =	rddreg [dreg:$0x1];
	p0 =	sne.s32 s2, $0x0  }
0x4f: {  	s3 =	rddreg [dreg:$0x2];
	[bflag:$0x3] =	sbarrier.arrive $0xFFFF;
	s2 =	simm.s32 @!p0 $0x1C01  }
0x50: {  	[timem:s3], [sflag:s2] =	dma.local @!p0 [hbm:s0], s1  }
0x51: {  	s0 =	simm.s32 @!p0 $0x1  }
0x52: {  	_ =	swait.ge @!p0 [sflag:s0], s1  }
0x53: {  	s1 =	ssub.s32 @!p0 $0x0, s1;
	[sflag:s0] =	ssyncset.done @!p0 $0x0  }
0x54: {  	[sflag:s0] =	ssyncadd.s32 @!p0 s1  }
0x55: {  	[bflag:$0x3] =	sbarrier.arrive $0xFFFF  }
0x56: {  	_ =	shalt  }

</sc_bundles>
